<compile_context>
chip_gen: v7x
topology: tpu7x:2x2x1
jax: 0.10.2.dev20260603
libtpu: 0.0.44.dev20260713+nightly
codegen_flags: <defaults>
</compile_context>

<pallas_src>
import functools

import jax
import jax.numpy as jnp
from jax import lax
from jax.experimental import pallas as pl
from jax.experimental.pallas import tpu as pltpu
from jax.experimental.pallas import tpu_sc as plsc

_LANES = 16


def _tc_add_kernel(x_ref, p_ref, o_ref):
    o_ref[...] = x_ref[...] + p_ref[...]


def _tc_part(xr, pos_embedding, n_rows, S, D, SBLK):
    grid = n_rows // SBLK
    nps = S // SBLK
    return pl.pallas_call(
        _tc_add_kernel,
        grid=(grid,),
        in_specs=[
            pl.BlockSpec((SBLK, D), lambda i: (i, 0)),
            pl.BlockSpec((SBLK, D), lambda i, nps=nps: (i % nps, 0)),
        ],
        out_specs=pl.BlockSpec((SBLK, D), lambda i: (i, 0)),
        out_shape=jax.ShapeDtypeStruct((n_rows, D), xr.dtype),
    )(xr, pos_embedding)


def _sc_part(xr, pos_embedding, row0, n_rows, S, D):
    info = plsc.get_sparse_core_info()
    NW = info.num_cores * info.num_subcores
    SPW = n_rows // NW
    CH = 16
    NCH = SPW // CH
    mesh = plsc.VectorSubcoreMesh(core_axis_name="c", subcore_axis_name="s")

    @functools.partial(
        pl.kernel,
        out_type=jax.ShapeDtypeStruct((n_rows, D), jnp.float32),
        mesh=mesh,
        scratch_types=[
            pltpu.VMEM((CH, D), jnp.float32),
            pltpu.VMEM((CH, D), jnp.float32),
        ],
    )
    def sc_add(x_hbm, pos_hbm, out_hbm, xbuf, posbuf):
        wid = lax.axis_index("s") * info.num_cores + lax.axis_index("c")
        base = wid * SPW

        def chunk_body(c, carry):
            rbase = base + c * CH
            sbase = (row0 + rbase) % S
            pltpu.sync_copy(pos_hbm.at[pl.ds(sbase, CH)], posbuf)
            pltpu.sync_copy(x_hbm.at[pl.ds(row0 + rbase, CH)], xbuf)

            def row_body(r, _):
                def vec_body(j, _):
                    sl = pl.ds(j * _LANES, _LANES)
                    xbuf[r, sl] = xbuf[r, sl] + posbuf[r, sl]
                    return 0

                return lax.fori_loop(0, D // _LANES, vec_body, 0)

            lax.fori_loop(0, CH, row_body, 0)
            pltpu.sync_copy(xbuf, out_hbm.at[pl.ds(rbase, CH)])
            return carry

        lax.fori_loop(0, NCH, chunk_body, 0)

    return sc_add(xr, pos_embedding)


def kernel(x, pos_embedding):
    B, S, D = x.shape
    R = B * S
    xr = x.reshape(R, D)
    n_sc = R // 8
    n_tc = R - n_sc
    tc_out = _tc_part(xr, pos_embedding, n_tc, S, D, SBLK=512)
    sc_out = _sc_part(xr, pos_embedding, n_tc, n_sc, S, D)
    return jnp.concatenate([tc_out, sc_out], axis=0).reshape(B, S, D)

# --- scband reference (transcript-rebuilt; emitter-appended) ---
"""Pipeline reference for scband-learned-positional-encoding-71193377898962 (READ-ONLY COPY).

The authoritative reference and input builder live on the scoring server;
editing this copy changes nothing except your own understanding.
"""

import jax, jax.numpy as jnp
import numpy as np

D_MODEL = 1024
MAX_LEN = 8192
B, S = 4, 4096

def setup_inputs(seed: int = 0) -> dict:
    key = jax.random.key(seed)
    k1, k2 = jax.random.split(key)
    x = jax.random.normal(k1, (B, S, D_MODEL), dtype=jnp.float32)
    pos_embedding = jax.random.normal(k2, (MAX_LEN, D_MODEL), dtype=jnp.float32) * 0.02
    return {"x": x, "pos_embedding": pos_embedding}

def reference(x, pos_embedding):
    # pos = arange(S)[None, :]; embedding = table[pos] -> [1, S, d_model]
    seq_len = x.shape[1]
    pos = jnp.arange(seq_len)[None, :]
    embedding = jnp.take(pos_embedding, pos, axis=0)  # [1, S, d_model]
    return x + embedding

if __name__ == "__main__":
    import jax
    _d = setup_inputs()
    print(jax.jit(kernel)(*tuple(_d.values())))

</pallas_src>

<mosaic_0001>
#map = affine_map<(d0, d1) -> (0, 0)>
module attributes {stable_mosaic.version = 14 : i64} {
  func.func @sc_add(%arg0: i32, %arg1: i32, %arg2: memref<16384x1024xf32, #tpu.memory_space<hbm>>, %arg3: memref<8192x1024xf32, #tpu.memory_space<hbm>>, %arg4: memref<2048x1024xf32, #tpu.memory_space<hbm>>, %arg5: memref<16x1024xf32, #tpu.memory_space<vmem>>, %arg6: memref<16x1024xf32, #tpu.memory_space<vmem>>) attributes {dimension_semantics = [#tpu.dimension_semantics<core_parallel>, #tpu.dimension_semantics<subcore_parallel>], iteration_bounds = array<i64: 2, 16>, scalar_prefetch = 0 : i64, scratch_operands = 2 : i64, tpu.core_type = #tpu.core_type<sc_vector_subcore>, window_params = [{transform_indices = #map}, {transform_indices = #map}, {transform_indices = #map}]} {
    %mul3A = arith.constant 2 : i32
    %mul3A_0 = arith.muli %arg1, %mul3A : i32
    %add3A = arith.addi %mul3A_0, %arg0 : i32
    %mul3A_1 = arith.constant 64 : i32
    %mul3A_2 = arith.muli %add3A, %mul3A_1 : i32
    %scan3A = arith.constant 0 : i32
    %scan3A_3 = arith.constant 0 : i32
    %scan3A_4 = arith.constant 4 : i32
    %scan3A_5 = arith.addi %scan3A_3, %scan3A_4 : i32
    %scan3A_6 = arith.constant 1 : i32
    scf.for %scan3A_8 = %scan3A_3 to %scan3A_5 step %scan3A_6  : i32 {
      %mul3A_9 = arith.constant 16 : i32
      %mul3A_10 = arith.muli %scan3A_8, %mul3A_9 : i32
      %add3A_11 = arith.addi %mul3A_2, %mul3A_10 : i32
      %add3A_12 = arith.constant 14336 : i32
      %add3A_13 = arith.addi %add3A_12, %add3A_11 : i32
      %jit3A = arith.constant 4096 : i32
      %eq3A = arith.constant 0 : i32
      %eq3A_14 = arith.cmpi eq, %jit3A, %eq3A : i32
      %jit3A_15 = arith.constant 1 : i32
      %select_n3A = arith.select %eq3A_14, %jit3A_15, %jit3A : i32
      %rem3A = arith.remsi %add3A_13, %select_n3A : i32
      %ne3A = arith.constant 0 : i32
      %ne3A_16 = arith.cmpi ne, %rem3A, %ne3A : i32
      %lt3A = arith.constant 0 : i32
      %lt3A_17 = arith.cmpi slt, %rem3A, %lt3A : i32
      %lt3A_18 = arith.constant 0 : i32
      %lt3A_19 = arith.cmpi slt, %select_n3A, %lt3A_18 : i32
      %ne3A_20 = arith.xori %lt3A_17, %lt3A_19 : i1
      %and3A = arith.andi %ne3A_20, %ne3A_16 : i1
      %add3A_21 = arith.addi %rem3A, %select_n3A : i32
      %select_n3A_22 = arith.select %and3A, %add3A_21, %rem3A : i32
      "tpu.region"() ({
        %run_scoped3A = tpu.sem_alloc : memref<!tpu.dma_semaphore, #tpu.memory_space<semaphore_mem>>
        %dma_start3A = arith.constant 0 : i32
        %dma_start3A_32 = tpu.memref_slice %arg3[%select_n3A_22, %dma_start3A] : memref<8192x1024xf32, #tpu.memory_space<hbm>> -> memref<16x1024xf32, #tpu.memory_space<hbm>>
        %dma_start3A_33 = arith.constant 0 : i32
        %dma_start3A_34 = tpu.memref_slice %arg3[%select_n3A_22, %dma_start3A_33] : memref<8192x1024xf32, #tpu.memory_space<hbm>> -> memref<16x1024xf32, #tpu.memory_space<hbm>>
        tpu.enqueue_dma source(%dma_start3A_34 : memref<16x1024xf32, #tpu.memory_space<hbm>>) target(%arg6 : memref<16x1024xf32, #tpu.memory_space<vmem>>) target_semaphore(%run_scoped3A : memref<!tpu.dma_semaphore, #tpu.memory_space<semaphore_mem>>)
        %dma_wait3A = arith.constant 0 : i32
        %dma_wait3A_35 = tpu.memref_slice %arg3[%select_n3A_22, %dma_wait3A] : memref<8192x1024xf32, #tpu.memory_space<hbm>> -> memref<16x1024xf32, #tpu.memory_space<hbm>>
        %dma_wait3A_36 = arith.constant 0 : i32
        %dma_wait3A_37 = tpu.memref_slice %arg3[%select_n3A_22, %dma_wait3A_36] : memref<8192x1024xf32, #tpu.memory_space<hbm>> -> memref<16x1024xf32, #tpu.memory_space<hbm>>
        tpu.wait_dma2 semaphore(%run_scoped3A : memref<!tpu.dma_semaphore, #tpu.memory_space<semaphore_mem>>) src(%dma_wait3A_37 : memref<16x1024xf32, #tpu.memory_space<hbm>>) dst(%arg6 : memref<16x1024xf32, #tpu.memory_space<vmem>>)
        tpu.yield
      }) : () -> ()
      %add3A_23 = arith.constant 14336 : i32
      %add3A_24 = arith.addi %add3A_23, %add3A_11 : i32
      "tpu.region"() ({
        %run_scoped3A = tpu.sem_alloc : memref<!tpu.dma_semaphore, #tpu.memory_space<semaphore_mem>>
        %dma_start3A = arith.constant 0 : i32
        %dma_start3A_32 = tpu.memref_slice %arg2[%add3A_24, %dma_start3A] : memref<16384x1024xf32, #tpu.memory_space<hbm>> -> memref<16x1024xf32, #tpu.memory_space<hbm>>
        %dma_start3A_33 = arith.constant 0 : i32
        %dma_start3A_34 = tpu.memref_slice %arg2[%add3A_24, %dma_start3A_33] : memref<16384x1024xf32, #tpu.memory_space<hbm>> -> memref<16x1024xf32, #tpu.memory_space<hbm>>
        tpu.enqueue_dma source(%dma_start3A_34 : memref<16x1024xf32, #tpu.memory_space<hbm>>) target(%arg5 : memref<16x1024xf32, #tpu.memory_space<vmem>>) target_semaphore(%run_scoped3A : memref<!tpu.dma_semaphore, #tpu.memory_space<semaphore_mem>>)
        %dma_wait3A = arith.constant 0 : i32
        %dma_wait3A_35 = tpu.memref_slice %arg2[%add3A_24, %dma_wait3A] : memref<16384x1024xf32, #tpu.memory_space<hbm>> -> memref<16x1024xf32, #tpu.memory_space<hbm>>
        %dma_wait3A_36 = arith.constant 0 : i32
        %dma_wait3A_37 = tpu.memref_slice %arg2[%add3A_24, %dma_wait3A_36] : memref<16384x1024xf32, #tpu.memory_space<hbm>> -> memref<16x1024xf32, #tpu.memory_space<hbm>>
        tpu.wait_dma2 semaphore(%run_scoped3A : memref<!tpu.dma_semaphore, #tpu.memory_space<semaphore_mem>>) src(%dma_wait3A_37 : memref<16x1024xf32, #tpu.memory_space<hbm>>) dst(%arg5 : memref<16x1024xf32, #tpu.memory_space<vmem>>)
        tpu.yield
      }) : () -> ()
      %scan3A_25 = arith.constant 0 : i32
      %scan3A_26 = arith.constant 0 : i32
      %scan3A_27 = arith.constant 16 : i32
      %scan3A_28 = arith.addi %scan3A_26, %scan3A_27 : i32
      %scan3A_29 = arith.constant 1 : i32
      %scan3A_30 = scf.for %scan3A_32 = %scan3A_26 to %scan3A_28 step %scan3A_29 iter_args(%scan3A_33 = %scan3A_25) -> (i32)  : i32 {
        %scan3A_34 = arith.constant 0 : i32
        %scan3A_35 = arith.constant 0 : i32
        %scan3A_36 = arith.constant 64 : i32
        %scan3A_37 = arith.addi %scan3A_35, %scan3A_36 : i32
        %scan3A_38 = arith.constant 1 : i32
        %scan3A_39 = scf.for %scan3A_41 = %scan3A_35 to %scan3A_37 step %scan3A_38 iter_args(%scan3A_42 = %scan3A_34) -> (i32)  : i32 {
          %mul3A_43 = arith.constant 16 : i32
          %mul3A_44 = arith.muli %scan3A_41, %mul3A_43 : i32
          %get3A = arith.index_cast %scan3A_32 : i32 to index
          %get3A_45 = arith.index_cast %mul3A_44 : i32 to index
          %get3A_46 = tpu.vector_load %arg5[%get3A, %get3A_45] {strides = array<i32>} : memref<16x1024xf32, #tpu.memory_space<vmem>>, vector<1x16xf32>,
          %get3A_47 = vector.shape_cast %get3A_46 : vector<1x16xf32> to vector<16xf32>
          %get3A_48 = arith.index_cast %scan3A_32 : i32 to index
          %get3A_49 = arith.index_cast %mul3A_44 : i32 to index
          %get3A_50 = tpu.vector_load %arg6[%get3A_48, %get3A_49] {strides = array<i32>} : memref<16x1024xf32, #tpu.memory_space<vmem>>, vector<1x16xf32>,
          %get3A_51 = vector.shape_cast %get3A_50 : vector<1x16xf32> to vector<16xf32>
          %add3A_52 = arith.addf %get3A_47, %get3A_51 : vector<16xf32>
          %swap3A = arith.index_cast %scan3A_32 : i32 to index
          %swap3A_53 = arith.index_cast %mul3A_44 : i32 to index
          %swap3A_54 = tpu.vector_load %arg5[%swap3A, %swap3A_53] {strides = array<i32>} : memref<16x1024xf32, #tpu.memory_space<vmem>>, vector<1x16xf32>,
          %swap3A_55 = vector.shape_cast %swap3A_54 : vector<1x16xf32> to vector<16xf32>
          %swap3A_56 = vector.shape_cast %add3A_52 : vector<16xf32> to vector<1x16xf32>
          tpu.vector_store %arg5[%swap3A, %swap3A_53], %swap3A_56 {strides = array<i32>} : memref<16x1024xf32, #tpu.memory_space<vmem>>, vector<1x16xf32>,
          %scan3A_57 = arith.constant 0 : i32
          scf.yield %scan3A_57 : i32
        }
        %scan3A_40 = arith.constant 64 : i32
        scf.yield %scan3A_39 : i32
      }
      %scan3A_31 = arith.constant 16 : i32
      "tpu.region"() ({
        %run_scoped3A = tpu.sem_alloc : memref<!tpu.dma_semaphore, #tpu.memory_space<semaphore_mem>>
        %dma_start3A = arith.constant 0 : i32
        %dma_start3A_32 = tpu.memref_slice %arg4[%add3A_11, %dma_start3A] : memref<2048x1024xf32, #tpu.memory_space<hbm>> -> memref<16x1024xf32, #tpu.memory_space<hbm>>
        %dma_start3A_33 = arith.constant 0 : i32
        %dma_start3A_34 = tpu.memref_slice %arg4[%add3A_11, %dma_start3A_33] : memref<2048x1024xf32, #tpu.memory_space<hbm>> -> memref<16x1024xf32, #tpu.memory_space<hbm>>
        tpu.enqueue_dma source(%arg5 : memref<16x1024xf32, #tpu.memory_space<vmem>>) target(%dma_start3A_34 : memref<16x1024xf32, #tpu.memory_space<hbm>>) target_semaphore(%run_scoped3A : memref<!tpu.dma_semaphore, #tpu.memory_space<semaphore_mem>>)
        %dma_wait3A = arith.constant 0 : i32
        %dma_wait3A_35 = tpu.memref_slice %arg4[%add3A_11, %dma_wait3A] : memref<2048x1024xf32, #tpu.memory_space<hbm>> -> memref<16x1024xf32, #tpu.memory_space<hbm>>
        %dma_wait3A_36 = arith.constant 0 : i32
        %dma_wait3A_37 = tpu.memref_slice %arg4[%add3A_11, %dma_wait3A_36] : memref<2048x1024xf32, #tpu.memory_space<hbm>> -> memref<16x1024xf32, #tpu.memory_space<hbm>>
        tpu.wait_dma2 semaphore(%run_scoped3A : memref<!tpu.dma_semaphore, #tpu.memory_space<semaphore_mem>>) src(%arg5 : memref<16x1024xf32, #tpu.memory_space<vmem>>) dst(%dma_wait3A_37 : memref<16x1024xf32, #tpu.memory_space<hbm>>)
        tpu.yield
      }) : () -> ()
    }
    %scan3A_7 = arith.constant 4 : i32
    return
  }
}

module attributes {stable_mosaic.version = 14 : i64} {
  func.func @_tc_add_kernel(%arg0: i32, %arg1: memref<512x1024xf32, #tpu.memory_space<vmem>>, %arg2: memref<512x1024xf32, #tpu.memory_space<vmem>>, %arg3: memref<512x1024xf32, #tpu.memory_space<vmem>>) attributes {dimension_semantics = [#tpu.dimension_semantics<arbitrary>], iteration_bounds = array<i64: 28>, scalar_prefetch = 0 : i64, scratch_operands = 0 : i64, tpu.core_type = #tpu.core_type<tc>, window_params = [{transform_indices = @transform_0, window_bounds = array<i64: 512, 1024>}, {transform_indices = @transform_1, window_bounds = array<i64: 512, 1024>}, {transform_indices = @transform_2, window_bounds = array<i64: 512, 1024>}]} {
    %get3A = arith.constant 0 : index
    %get3A_0 = arith.constant 0 : index
    %get3A_1 = vector.load %arg1[%get3A, %get3A_0] : memref<512x1024xf32, #tpu.memory_space<vmem>>, vector<512x1024xf32>
    %get3A_2 = arith.constant 0 : index
    %get3A_3 = arith.constant 0 : index
    %get3A_4 = vector.load %arg2[%get3A_2, %get3A_3] : memref<512x1024xf32, #tpu.memory_space<vmem>>, vector<512x1024xf32>
    %add3A = arith.addf %get3A_1, %get3A_4 : vector<512x1024xf32>
    %swap3A = arith.constant 0 : index
    %swap3A_5 = arith.constant 0 : index
    %swap3A_6 = vector.load %arg3[%swap3A, %swap3A_5] : memref<512x1024xf32, #tpu.memory_space<vmem>>, vector<512x1024xf32>
    tpu.vector_store %arg3[%swap3A, %swap3A_5], %add3A {strides = array<i32>} : memref<512x1024xf32, #tpu.memory_space<vmem>>, vector<512x1024xf32>,
    return
  }
  func.func @transform_0(%arg0: i32) -> (i32, i32) {
    %c0_i32 = arith.constant 0 : i32
    %c0_i32_0 = arith.constant 0 : i32
    return %arg0, %c0_i32 : i32, i32
  }
  func.func @transform_1(%arg0: i32) -> (i32, i32) {
    %jit3A = arith.constant 8 : i32
    %eq3A = arith.constant 0 : i32
    %eq3A_0 = arith.cmpi eq, %jit3A, %eq3A : i32
    %jit3A_1 = arith.constant 1 : i32
    %select_n3A = arith.select %eq3A_0, %jit3A_1, %jit3A : i32
    %rem3A = arith.remsi %arg0, %select_n3A : i32
    %ne3A = arith.constant 0 : i32
    %ne3A_2 = arith.cmpi ne, %rem3A, %ne3A : i32
    %lt3A = arith.constant 0 : i32
    %lt3A_3 = arith.cmpi slt, %rem3A, %lt3A : i32
    %lt3A_4 = arith.constant 0 : i32
    %lt3A_5 = arith.cmpi slt, %select_n3A, %lt3A_4 : i32
    %ne3A_6 = arith.xori %lt3A_3, %lt3A_5 : i1
    %and3A = arith.andi %ne3A_6, %ne3A_2 : i1
    %add3A = arith.addi %rem3A, %select_n3A : i32
    %select_n3A_7 = arith.select %and3A, %add3A, %rem3A : i32
    %c0_i32 = arith.constant 0 : i32
    %c0_i32_8 = arith.constant 0 : i32
    return %select_n3A_7, %c0_i32 : i32, i32
  }
  func.func @transform_2(%arg0: i32) -> (i32, i32) {
    %c0_i32 = arith.constant 0 : i32
    %c0_i32_0 = arith.constant 0 : i32
    return %arg0, %c0_i32 : i32, i32
  }
}

</mosaic_0001>

<sc_bundles>
// kernel: kernel.4.cloned.1.call-start
scs
__scs_entry_jumppad:
0x0: {  	(pc) =	sbr.rel $0x88, $3  }
0x1: {  	(tag) =	ssettag $0x0;
	lr =	simm.s32 $0x1  }
0x2: {  	[smem:$0x3F9F] =	sst lr;
	_ =	strace $0xD0000000  }
0x3: {  	_ = 	snop  }
0x4: {  	_ = 	snop  }
0x5: {  	_ = 	snop  }
0x6: {  	_ = 	snop  }
0x7: {  	_ = 	snop  }
__scs_overlays_trampoline_lowered:
0x8: {  	[smem:$0x3FAE] =	sst s0  }
0x9: {  	[smem:$0x3FAF] =	sst s1  }
0xa: {  	[smem:$0x3FB0] =	sst s2  }
0xb: {  	[smem:$0x3FB1] =	sst s3  }
0xc: {  	[smem:$0x3FB2] =	sst s4  }
0xd: {  	[smem:$0x3FB3] =	sst s5  }
0xe: {  	[smem:$0x3FB4] =	sst s6  }
0xf: {  	[smem:$0x3FB5] =	sst s7  }
0x10: {  	[smem:$0x3FB6] =	sst s8  }
0x11: {  	[smem:$0x3FB7] =	sst s9;
	s0 =	simm.s32 @!p0 $0x0  }
0x12: {  	s1 =	sld [smem:$0x3F9D];
	s0 =	simm.s32 @p0 $0x1  }
0x13: {  	[smem:$0x3FB8] =	sst s0;
	s0 =	simm.s32 @!p1 $0x0  }
0x14: {  	s2 =	sld [smem:$0x3F9C];
	s0 =	simm.s32 @p1 $0x1  }
0x15: {  	[smem:$0x3FB9] =	sst s0;
	s0 =	simm.s32 @!p2 $0x0  }
0x16: {  	s3 =	sld [smem:$0x3FDB];
	s0 =	simm.s32 @p2 $0x1  }
0x17: {  	s4 =	simm.s32 $0x1BF5;
	[smem:$0x3FBB] =	sst s0  }
0x18: {  	s0 =	sld [smem:$0x3F9E];
	_ =	swait.ge [sflag:s4], $0x0  }
0x19: {  	s7 =	sld [smem:$0x3F9F]  }
0x1a: {  	s8 =	sadd.s32 $0xFFFFE003, lr  }
0x1b: {  	s9 =	sadd.s32 $0xFFFFFEF7, lr;
	s5 =	simm.s32 $0xFFFFFFFF;
	p2 =	slt.u32 s8, $0xFFFFF086  }
0x1c: {  	p1 =	slt.u32 s9, $0xF7A;
	s5 =	simm.s32 @!p2 $0x0  }
0x1d: {  	s5 =	simm.s32 @p1 $0x1;
	p0 =	seq.s32 s7, s2  }
0x1e: {  	s7 =	smul.u32 @!p0 $0xF7A, s2;
	p2 =	seq.s32 @!p0 s5, $0x0  }
0x1f: {  	s9 =	smul.u32 $0xF7A, s1;
	s8 =	simm.s32 @!p0 $0x1BF5;
	p2 =	por !p2, p0  }
0x20: {  	[sflag:s8] =	ssyncset.s32 @!p0 $0xFFFFF086;
	s6 =	sadd.s32 @!p0 s3, s7;
	s7 =	simm.s32 @!p0 $0x108  }
0x21: {  	s3 =	sadd.s32 s3, s9;
	s6 =	sadd.s32 @!p0 $0x88, s6;
	s7 =	simm.s32 @p2 $0x1082  }
0x22: {  	[simem:s7], [sflag:s8] =	dma.local @!p0 [hbm:s6], $0xF7A  }
0x23: {  	s9 =	sor.u32 $0xD0000000, s2;
	s6 =	simm.s32 $0x108;
	_ =	swait.ge @!p0 [sflag:s8], $0x0  }
0x24: {  	s3 =	sadd.s32 $0x88, s3;
	s6 =	simm.s32 @!p1 $0x1082;
	[sflag:s4] =	ssyncset.s32 $0xFFFFF086  }
0x25: {  	[simem:s6], [sflag:s4] =	dma.local [hbm:s3], $0xF7A  }
0x26: {  	[smem:$0x3F9F] =	sst s1;
	(tag) =	ssettag s2;
	_ =	strace s9  }
0x27: {  	s1 =	sld [smem:$0x3FAF]  }
0x28: {  	s2 =	sld [smem:$0x3FB0]  }
0x29: {  	s4 =	sld [smem:$0x3FB2]  }
0x2a: {  	p0 =	seq.s32 s5, $0x0;
	s5 =	sld [smem:$0x3FB3]  }
0x2b: {  	s6 =	sld [smem:$0x3FB4]  }
0x2c: {  	s7 =	sld [smem:$0x3FB5]  }
0x2d: {  	s3 =	simm.s32 $0x108;
	s8 =	sld [smem:$0x3FB6]  }
0x2e: {  	s3 =	simm.s32 @!p0 $0x1082;
	s9 =	sld [smem:$0x3FB7]  }
0x2f: {  	lr =	sadd.s32 s0, s3;
	s0 =	sld [smem:$0x3FAE]  }
0x30: {  	s3 =	sld [smem:$0x3FB1]  }
0x31: {  	[smem:$0x3FBA] =	sst s10  }
0x32: {  	s10 =	sld [smem:$0x3FB8];
	_ =	sdelay $0x3  }
0x33: {  	p0 =	seq.s32 s10, $0x1;
	s10 =	sld [smem:$0x3FBA];
	_ =	sdelay $0x3  }
0x34: {  	[smem:$0x3FBA] =	sst s10  }
0x35: {  	s10 =	sld [smem:$0x3FB9];
	_ =	sdelay $0x3  }
0x36: {  	p1 =	seq.s32 s10, $0x1;
	s10 =	sld [smem:$0x3FBA];
	_ =	sdelay $0x3  }
0x37: {  	[smem:$0x3FBA] =	sst s10  }
0x38: {  	s10 =	sld [smem:$0x3FBB]  }
0x39: {  	_ = 	snop;
	(pc) =	sbr.ind lr, $3  }
0x3a: {  	_ = 	snop  }
0x3b: {  	_ = 	snop  }
0x3c: {  	p2 =	seq.s32 s10, $0x1;
	s10 =	sld [smem:$0x3FBA]  }
0x3d: {  	_ =	shalt  }
0x3e: {  	_ =	shalt  }
0x3f: {  	_ =	shalt  }
0x40: {  	_ =	shalt  }
0x41: {  	_ =	shalt  }
0x42: {  	_ =	shalt  }
0x43: {  	_ =	shalt  }
0x44: {  	_ =	shalt  }
0x45: {  	_ =	shalt  }
0x46: {  	_ =	shalt  }
0x47: {  	_ =	shalt  }
0x48: {  	_ =	shalt  }
0x49: {  	_ =	shalt  }
0x4a: {  	_ =	shalt  }
0x4b: {  	_ =	shalt  }
0x4c: {  	_ =	shalt  }
0x4d: {  	_ =	shalt  }
0x4e: {  	_ =	shalt  }
0x4f: {  	_ =	shalt  }
0x50: {  	_ =	shalt  }
0x51: {  	_ =	shalt  }
0x52: {  	_ =	shalt  }
0x53: {  	_ =	shalt  }
0x54: {  	_ =	shalt  }
0x55: {  	_ =	shalt  }
0x56: {  	_ =	shalt  }
0x57: {  	_ =	shalt  }
0x58: {  	_ =	shalt  }
0x59: {  	_ =	shalt  }
0x5a: {  	_ =	shalt  }
0x5b: {  	_ =	shalt  }
0x5c: {  	_ =	shalt  }
0x5d: {  	_ =	shalt  }
0x5e: {  	_ =	shalt  }
0x5f: {  	_ =	shalt  }
0x60: {  	_ =	shalt  }
0x61: {  	_ =	shalt  }
0x62: {  	_ =	shalt  }
0x63: {  	_ =	shalt  }
0x64: {  	_ =	shalt  }
0x65: {  	_ =	shalt  }
0x66: {  	_ =	shalt  }
0x67: {  	_ =	shalt  }
0x68: {  	_ =	shalt  }
0x69: {  	_ =	shalt  }
0x6a: {  	_ =	shalt  }
0x6b: {  	_ =	shalt  }
0x6c: {  	_ =	shalt  }
0x6d: {  	_ =	shalt  }
0x6e: {  	_ =	shalt  }
0x6f: {  	_ =	shalt  }
0x70: {  	_ =	shalt  }
0x71: {  	_ =	shalt  }
0x72: {  	_ =	shalt  }
0x73: {  	_ =	shalt  }
0x74: {  	_ =	shalt  }
0x75: {  	_ =	shalt  }
0x76: {  	_ =	shalt  }
0x77: {  	_ =	shalt  }
0x78: {  	_ =	shalt  }
0x79: {  	_ =	shalt  }
0x7a: {  	_ =	shalt  }
0x7b: {  	_ =	shalt  }
0x7c: {  	_ =	shalt  }
0x7d: {  	_ =	shalt  }
0x7e: {  	_ =	shalt  }
0x7f: {  	_ =	shalt  }
0x80: {  	_ =	shalt  }
0x81: {  	_ =	shalt  }
0x82: {  	_ =	shalt  }
0x83: {  	_ =	shalt  }
0x84: {  	_ =	shalt  }
0x85: {  	_ =	shalt  }
0x86: {  	_ =	shalt  }
0x87: {  	_ =	shalt  }
.Lfunc_end0:
.L_simem_size_0:
called_computation_lowered:
.L_overlay_start_0:
0x88: {  	s2 =	sld [smem:$0x3FD9]  }
0x89: {  	s3 =	sld [smem:$0x3FFE];
	_ =	sdelay $0x1  }
0x8a: {  	s1 =	srdreg.scid  }
0x8b: {  	s0 =	sand.u32 $0x1, s1  }
0x8c: {  	s17 =	sshll.u32 s0, $0xA;
	s2 =	sadd.s32 s3, s2  }
0x8d: {  	s2 =	sadd.s32 s2, s17  }
0x8e: {  	[smem:$0x3FC6] =	sst s2  }
0x8f: {  	_ = 	snop  }
0x90: {  	s2 =	sld [smem:$0x3FC9]  }
0x91: {  	s18 =	sld [smem:$0x3FC8];
	(tm) =	ssettm $0x1  }
0x92: {  	s4 =	sld [smem:$0x3FFB];
	_ =	sdelay $0x3  }
0x93: {  	_ =	strace s4  }
0x94: {  	s4 =	sld [smem:$0x3FFC];
	_ =	sdelay $0x3  }
0x95: {  	_ =	strace s4  }
0x96: {  	s4 =	sld [smem:$0x3FFD];
	_ =	sdelay $0x3  }
0x97: {  	_ =	strace s4  }
0x98: {  	_ =	strace $0x8FFFFFFF  }
0x99: {  	s19 =	sld [smem:$0x3FDB];
	_ =	sdelay $0x1  }
0x9a: {  	s5 =	simm.s32 $_scs_section_size  }
0x9b: {  	s6 =	simm.s32 $_size__tile_overlayer_lowered;
	s7 =	simm.s32 $_tile_overlayer_lowered  }
0x9c: {  	s22 =	simm.s32 $0x1BFF;
	s21 =	sshll.u32 s7, $0x1;
	s4 =	sadd.s32 s5, s19  }
0x9d: {  	s8 =	simm.s32 $0x0;
	s20 =	sshll.u32 s6, $0x1;
	s6 =	sadd.s32 s21, s4  }
0x9e: {  	[timem:s8], [sflag:s22] =	dma.local [hbm:s6], s20  }
0x9f: {  	_ =	swait.ge [sflag:s22], s20  }
0xa0: {  	s5 =	ssub.s32 $0x0, s20;
	[sflag:s22] =	ssyncset.done $0x0  }
0xa1: {  	[sflag:s22] =	ssyncadd.s32 s5;
	_ =	sdelay $0x1  }
0xa2: {  	s23 =	simm.s32 $0x1B8B  }
0xa3: {  	_ =	swait.ge [sflag:s23], $0x1  }
0xa4: {  	[sflag:s23] =	ssyncset.done $0x0  }
0xa5: {  	s25 =	simm.s32 $0x1B8E;
	s24 =	sld [smem:$0x3FFE];
	[sflag:s23] =	ssyncadd.s32 $0xFFFFFFFF  }
0xa6: {  	s26 =	simm.s32 $execute0_lowered;
	[smem:$0x3FD2] =	sst s25  }
0xa7: {  	s6 =	sshll.u32 s26, $0x1;
	_ =	strace $0x80000046;
	[dreg:$0x1] =	wrdreg $0xFFFFFFFF  }
0xa8: {  	s28 =	simm.s32 $_size_execute0_lowered;
	s4 =	sadd.s32 s4, s6;
	[dreg:$0x0] =	wrdreg $0x0  }
0xa9: {  	s6 =	sshll.u32 s28, $0x1;
	[dreg:$0x2] =	wrdreg s4  }
0xaa: {  	[dreg:$0x3] =	wrdreg s6  }
0xab: {  	[dreg:$0x4] =	wrdreg $0xC0  }
0xac: {  	_ =	task [dreg:s8], $0x5FFFF  }
0xad: {  	[dreg:$0x1] =	wrdreg $0xFFFFFFFF  }
0xae: {  	[dreg:$0x0] =	wrdreg $0x60  }
0xaf: {  	[dreg:$0x2] =	wrdreg s2  }
0xb0: {  	[dreg:$0x3] =	wrdreg s18  }
0xb1: {  	[dreg:$0x4] =	wrdreg s24  }
0xb2: {  	[dreg:$0x5] =	wrdreg $0x9  }
0xb3: {  	_ =	task.clear_ibuf [dreg:s8], $0x6FFFF;
	_ =	strace $0x90000046  }
0xb4: {  	s29 =	simm.s32 $0x9;
	_ =	strace $0x80000048  }
0xb5: {  	_ =	swait.ge [sflag:s29], $0x1  }
0xb6: {  	[sflag:s29] =	ssyncadd.s32 $0xFFFFFFFF  }
0xb7: {  	_ =	strace $0x90000048  }
0xb8: {  	_ =	sfence  }
0xb9: {  	s30 =	sld [smem:$0x0];
	_ =	sdelay $0x2  }
0xba: {  	s31 =	sshll.u32 s1, $0xD;
	s1 =	sshrl.u32 s1, $0x2  }
0xbb: {  	s3 =	sand.u32 $0x4000, s31;
	s1 =	sadd.s32 s1, s30  }
0xbc: {  	s0 =	sor.u32 s3, s0;
	s1 =	sshll.u32 s1, $0x11  }
0xbd: {  	s0 =	sor.u32 s1, s0  }
0xbe: {  	s0 =	sadd.s32 $0x8F2B, s0  }
0xbf: {  	[sflag:s0] =	ssyncadd.remote.s32 $0x1  }
0xc0: {  	_ =	sfence.sel $0xFFFF  }
0xc1: {  	[dreg:$0x0] =	wrdreg $0xFFFFFFFF;
	(pc) =	sbr.abs _section_cstart, $3  }
0xc2: {  	[dreg:$0x1] =	wrdreg $0xFFFFFFFF  }
0xc3: {  	_ =	task.clear_ibuf [dreg:s8], $0x2FFFF;
	_ =	strace $0x9FFFFFFF  }
0xc4: {  	(tm) =	ssettm $0x7FFFFFFF  }
0xc5: {  	_ =	shalt  }
tec
execute0_lowered:
.L_overlay_start_1:
0x0: {  	(tag) =	ssettag $0x1  }
0x1: {  	s1 =	rddreg [dreg:$0x0]  }
0x2: {  	s2 =	rddreg [dreg:$0x1]  }
0x3: {  	s5 =	rddreg [dreg:$0x2]  }
0x4: {  	s4 =	srdreg.scid;
	s0 =	rddreg [dreg:$0x3];
	s3 =	simm.s32 $0x0  }
0x5: {  	s9 =	simm.s32 $0x1;
	s10 =	simm.s32 $0x0;
	s6 =	sand.u32 $0x1, s4  }
0x6: {  	[smem:$0x7FF] =	sst s3;
	s4 =	stileid.u32;
	s7 =	ssub.s32 $0x2, s6  }
0x7: {  	s5 =	sadd.s32 $0x400, s5;
	_ =	strace $0x80000047;
	s8 =	sshrl.u32 s7, $0x1  }
0x8: {  	s31 =	sshll.u32 s4, $0xE;
	s6 =	sshll.u32 s6, $0xD;
	s7 =	ssub.s32 s7, s8  }
0x9: {  	s6 =	sor.u32 s6, s31;
	s8 =	simm.s32 $0x4000;
	s7 =	smax.u32 s7, $0x1  }
.LBB2_1:
0xa: {  	s11 =	simm.s32 $0x0  }
.LBB2_2:
0xb: {  	s12 =	sshll.u32 s11, $0xB  }
0xc: {  	s12 =	sadd.s32 s6, s12  }
0xd: {  	s14 =	sadd.s32 $0x1C0000, s12  }
0xe: {  	s13 =	sand.u32 $0x7F800, s14  }
0xf: {  	s15 =	sadd.s32 s2, s13;
	s13 =	simm.s32 $0x0  }
0x10: {  	[tilespmem:s8], [sflag:$0x1] =	stream.linear.gather [hbm4b:s15+s13], $0x4000, $0x38;
	[tilespmem:$0x8000] =	vst v63  }
0x11: {  	_ =	swait.ge [sflag:s9], $0x4000  }
0x12: {  	[sflag:s9] =	ssyncset.done $0x0  }
0x13: {  	s14 =	sadd.s32 s1, s14;
	[sflag:s9] =	ssyncadd.s32 $0xFFFFC000  }
0x14: {  	[tilespmem:s13], [sflag:$0x1] =	stream.linear.gather [hbm4b:s14+s13], $0x4000, $0x38;
	[tilespmem:$0x8000] =	vst v63  }
0x15: {  	_ =	swait.ge [sflag:s9], $0x4000  }
0x16: {  	[sflag:s9] =	ssyncset.done $0x0  }
0x17: {  	s14 =	simm.s32 $0x0;
	[sflag:s9] =	ssyncadd.s32 $0xFFFFC000  }
.LBB2_3:
0x18: {  	s15 =	sshll.u32 s14, $0xA;
	s16 =	sshll.u32 s14, $0x7  }
0x19: {  	s15 =	sand.u32 $0x2000, s15;
	s16 =	sand.u32 $0x380, s16  }
0x1a: {  	s31 =	sand.u32 $0x1C00, s13;
	s15 =	sor.u32 s15, s16  }
0x1b: {  	s17 =	sand.u32 $0x70, s13;
	s16 =	sor.u32 s31, s15  }
0x1c: {  	s16 =	sor.u32 s17, s16  }
0x1d: {  	v0 =	vld [tilespmem:s16+$0x4000]  }
0x1e: {  	v1 =	vld [tilespmem:s16+$0x0];
	_ =	sdelay $0x2  }
0x1f: {  	s17 =	simm.s32 $0x80  }
0x20: {  	s18 =	simm.s32 $0x10;
	s20 =	sand.u32 $0x1C00, s17  }
0x21: {  	s19 =	sand.u32 $0x70, s18;
	s18 =	simm.s32 $0x20;
	s20 =	sor.u32 s20, s15;
	v0 =	vadd.f32 v0, v1  }
.LBB2_4:
0x22: {  	p0 =	sne.s32 s18, $0x3F0;
	s19 =	sor.u32 s19, s20  }
0x23: {  	v1 =	vld [tilespmem:s19+$0x4000];
	[tilespmem:s16+$0x0] =	vst v0;
	s16 =	smov.u32 s19  }
0x24: {  	v0 =	vld [tilespmem:s16+$0x0]  }
.Ltmp0:
0x25: {  	(pc) =	sbr.rel @p0 .LBB2_4-.Ltmp0, $4  }
0x26: {  	_ = 	snop  }
0x27: {  	s17 =	sadd.s32 $0x80, s17  }
0x28: {  	s20 =	sand.u32 $0x1C00, s17  }
0x29: {  	s19 =	sand.u32 $0x70, s18;
	s18 =	sadd.s32 $0x10, s18;
	s20 =	sor.u32 s20, s15;
	v0 =	vadd.f32 v1, v0  }
0x2a: {  	s15 =	sor.u32 s19, s20  }
0x2b: {  	v1 =	vld [tilespmem:s15+$0x4000];
	[tilespmem:s16+$0x0] =	vst v0  }
0x2c: {  	v0 =	vld [tilespmem:s15+$0x0]  }
0x2d: {  	s14 =	sadd.s32 $0x1, s14  }
0x2e: {  	p0 =	sne.s32 s14, $0x10  }
.Ltmp1:
0x2f: {  	_ = 	snop;
	(pc) =	sbr.rel @p0 .LBB2_3-.Ltmp1, $3  }
0x30: {  	_ = 	snop  }
0x31: {  	v0 =	vadd.f32 v1, v0;
	_ =	sdelay $0x1  }
0x32: {  	[tilespmem:s15+$0x0] =	vst v0  }
0x33: {  	s11 =	sadd.s32 $0x1, s11  }
0x34: {  	p0 =	sne.s32 s11, $0x4  }
.Ltmp2:
0x35: {  	s12 =	sadd.s32 s5, s12;
	(pc) =	sbr.rel @p0 .LBB2_2-.Ltmp2, $4  }
0x36: {  	[hbm4b:s12+s3] =	stream.linear.scatter [tilespmem:s3], [sflag:$0x1], $0x4000, $0x38;
	[tilespmem:$0x8000] =	vst v63  }
0x37: {  	_ =	swait.ge [sflag:s9], $0x4000  }
0x38: {  	[sflag:s9] =	ssyncset.done $0x0  }
0x39: {  	[sflag:s9] =	ssyncadd.s32 $0xFFFFC000  }
0x3a: {  	s10 =	sadd.s32 $0x1, s10  }
0x3b: {  	p0 =	sne.s32 s10, s7  }
.Ltmp3:
0x3c: {  	_ = 	snop;
	(pc) =	sbr.rel @p0 .LBB2_1-.Ltmp3, $1  }
0x3d: {  	_ =	sdelay $0x3  }
0x3e: {  	_ =	sfence.sel $0x180000  }
0x3f: {  	[bflag:$0x0] =	sbarrier.arrive $0xFFFF  }
0x40: {  	p0 =	sne.s32 s4, $0x0;
	_ =	strace $0x90000047  }
0x41: {  	s0 =	sadd.s32 @!p0 $0x100000, s0;
	[bflag:$0x2] =	sbarrier.arrive $0xFFFF  }
0x42: {  	[sflag:s0] =	ssyncadd.tile.s32 @!p0 $0x1;
	_ =	shalt  }
.Lfunc_end2:
_tile_overlayer_lowered:
.L_overlay_start_2:
0x43: {  	(tag) =	ssettag $0x2  }
0x44: {  	s0 =	rddreg [dreg:$0x0];
	s2 =	stileid.u32  }
0x45: {  	s1 =	rddreg [dreg:$0x1];
	p0 =	sne.s32 s2, $0x0  }
0x46: {  	s3 =	rddreg [dreg:$0x2];
	[bflag:$0x3] =	sbarrier.arrive $0xFFFF;
	s2 =	simm.s32 @!p0 $0x1C01  }
0x47: {  	[timem:s3], [sflag:s2] =	dma.local @!p0 [hbm:s0], s1  }
0x48: {  	s0 =	simm.s32 @!p0 $0x1  }
0x49: {  	_ =	swait.ge @!p0 [sflag:s0], s1  }
0x4a: {  	s1 =	ssub.s32 @!p0 $0x0, s1;
	[sflag:s0] =	ssyncset.done @!p0 $0x0  }
0x4b: {  	[sflag:s0] =	ssyncadd.s32 @!p0 s1  }
0x4c: {  	[bflag:$0x3] =	sbarrier.arrive $0xFFFF  }
0x4d: {  	_ =	shalt  }

</sc_bundles>
